<compile_context>
chip_gen: v7x
topology: tpu7x:2x2x1
jax: 0.10.2.dev20260603
libtpu: 0.0.44.dev20260713+nightly
codegen_flags: <defaults>
</compile_context>

<pallas_src>
import functools

import jax
import jax.numpy as jnp
from jax import lax
from jax.experimental import pallas as pl
from jax.experimental.pallas import tpu as pltpu
from jax.experimental.pallas import tpu_sc as plsc

EMB = 64
G = 50
G_PAD = 56
L_ITEMS = 200
PER_W = 8
N_ITEM_WORKERS = L_ITEMS // PER_W
N_USER_WORKERS = G_PAD // PER_W
LANES = 16
BLK = 128

_info = plsc.get_sparse_core_info()
_NC = _info.num_cores

_mesh = plsc.VectorSubcoreMesh(core_axis_name="c", subcore_axis_name="s")


@functools.partial(
    pl.kernel,
    mesh=_mesh,
    compiler_params=pltpu.CompilerParams(needs_layout_passes=False),
    out_type=(
        jax.ShapeDtypeStruct((L_ITEMS, EMB), jnp.float32),
        jax.ShapeDtypeStruct((N_USER_WORKERS + 1, EMB), jnp.float32),
    ),
    scratch_types=[
        pltpu.VMEM((LANES,), jnp.int32),
        pltpu.VMEM((PER_W, EMB, BLK), jnp.float32),
        pltpu.VMEM((PER_W, EMB), jnp.float32),
        pltpu.SemaphoreType.DMA,
    ],
)
def _embed_sc(gm_hbm, hist_hbm, user_t, item_t, out_items, out_gsum,
              idx_v, blocks, rows, sem):
    wid = lax.axis_index("s") * _NC + lax.axis_index("c")
    dvecs = [c * LANES + lax.iota(jnp.int32, LANES)
             for c in range(EMB // LANES)]

    _gdn = lax.GatherDimensionNumbers(
        offset_dims=(), collapsed_slice_dims=(0,), start_index_map=(0,))

    def pick(iv, j):
        idx = jnp.full((LANES, 1), j, jnp.int32)
        return lax.gather(iv, idx, _gdn, (1,),
                          mode=lax.GatherScatterMode.PROMISE_IN_BOUNDS)[0]

    def fetch(table_t, iv):
        iv = jnp.clip(iv, 0, table_t.shape[1] - 1)

        def issue(j, carry):
            val = pick(iv, j)
            base = pl.multiple_of((val >> 7) * BLK, BLK)
            pltpu.async_copy(table_t.at[:, pl.ds(base, BLK)],
                             blocks.at[j], sem)
            return carry

        lax.fori_loop(0, PER_W, issue, 0)

        def drain(j, carry):
            pltpu.make_async_copy(table_t.at[:, pl.ds(0, BLK)],
                                  blocks.at[j], sem).wait()
            return carry

        lax.fori_loop(0, PER_W, drain, 0)
        return iv & (BLK - 1)

    @pl.when(wid < N_ITEM_WORKERS)
    def _items():
        base = wid * PER_W
        pltpu.sync_copy(hist_hbm.at[pl.ds(base, PER_W)],
                        idx_v.at[pl.ds(0, PER_W)])
        lanes = fetch(item_t, idx_v[...])

        def extract(j, carry):
            jc = jnp.full((LANES,), j, jnp.int32)
            lc = jnp.full((LANES,), pick(lanes, j), jnp.int32)
            for c in range(EMB // LANES):
                rows[j, pl.ds(c * LANES, LANES)] = plsc.load_gather(
                    blocks, [jc, dvecs[c], lc])
            return carry

        lax.fori_loop(0, PER_W, extract, 0)
        pltpu.sync_copy(rows, out_items.at[pl.ds(base, PER_W)])

    @pl.when(wid >= N_ITEM_WORKERS)
    def _users():
        uw = wid - N_ITEM_WORKERS
        ubase = uw * PER_W
        pltpu.sync_copy(gm_hbm.at[pl.ds(ubase, PER_W)],
                        idx_v.at[pl.ds(0, PER_W)])
        lanes = fetch(user_t, idx_v[...])
        zero = jnp.zeros((LANES,), jnp.float32)

        def acc_col(j, accs):
            jc = jnp.full((LANES,), j, jnp.int32)
            lc = jnp.full((LANES,), pick(lanes, j), jnp.int32)
            vm = jnp.full((LANES,), (ubase + j) < G)
            return tuple(
                accs[c] + jnp.where(
                    vm, plsc.load_gather(blocks, [jc, dvecs[c], lc]), 0.0)
                for c in range(EMB // LANES))

        accs = lax.fori_loop(0, PER_W, acc_col, (zero,) * (EMB // LANES))
        for c in range(EMB // LANES):
            rows[0, pl.ds(c * LANES, LANES)] = accs[c]
        pltpu.sync_copy(rows.at[pl.ds(0, 1)], out_gsum.at[pl.ds(uw, 1)])


def kernel(group_members, history, user_table, item_table, W1, b1, W2, b2):
    out_items, out_gsum = _embed_sc(
        group_members, history, user_table.T, item_table.T)
    group = out_gsum[:N_USER_WORKERS].sum(axis=0)
    return jnp.concatenate([group, out_items.reshape(-1)])

# --- scband reference (transcript-rebuilt; emitter-appended) ---
"""Pipeline reference for scband-embedding-10428180594816 (READ-ONLY COPY).

The authoritative reference and input builder live on the scoring server;
editing this copy changes nothing except your own understanding.
"""

import jax, jax.numpy as jnp
import numpy as np

EMB = 64
USER_NUM = 100000
ITEM_NUM = 1000000
G = 50
L = 200


def setup_inputs(seed: int = 0) -> dict:
    key = jax.random.key(seed)
    k1, k2, k3, k4, k5, k6, k7, k8 = jax.random.split(key, 8)
    group_members = jax.random.randint(k1, (G,), 0, USER_NUM, dtype=jnp.int64) if jax.config.jax_enable_x64 else jax.random.randint(k1, (G,), 0, USER_NUM).astype(jnp.int32)
    history = jax.random.randint(k2, (L,), 0, ITEM_NUM).astype(jnp.int32)
    group_members = group_members.astype(jnp.int32)
    user_table = jax.random.normal(k3, (USER_NUM + 1, EMB), dtype=jnp.float32) * 0.02
    item_table = jax.random.normal(k4, (ITEM_NUM + 1, EMB), dtype=jnp.float32) * 0.02
    W1 = jax.random.normal(k5, (EMB, EMB), dtype=jnp.float32) * (1.0 / np.sqrt(EMB))
    b1 = jnp.zeros((EMB,), dtype=jnp.float32)
    W2 = jax.random.normal(k6, (EMB, 1), dtype=jnp.float32) * (1.0 / np.sqrt(EMB))
    b2 = jnp.zeros((1,), dtype=jnp.float32)
    return {
        "group_members": group_members,
        "history": history,
        "user_table": user_table,
        "item_table": item_table,
        "W1": W1,
        "b1": b1,
        "W2": W2,
        "b2": b2,
    }


def reference(group_members, history, user_table, item_table, W1, b1, W2, b2):
    # user embedding gather: [G, D]
    embedded_group_members = jnp.take(user_table, group_members, axis=0)
    # attention MLP: Linear -> ReLU -> Linear, output [G, 1]
    h = jnp.maximum(embedded_group_members @ W1 + b1, 0.0)
    att_logits = h @ W2 + b2  # [G, 1]
    # softmax over last dim (size 1, as in the original module)
    group_member_attentions = jax.nn.softmax(att_logits, axis=-1)  # [G, 1]
    # torch.inner(att.T, emb.T) with att.T [1,G], emb.T [D,G] -> [1, D]; squeeze -> [D]
    embedded_group = jnp.squeeze(group_member_attentions.T @ embedded_group_members)
    # item embedding gather [L, D] -> flatten last two dims -> [L*D]
    embedded_history = jnp.take(item_table, history, axis=0).reshape(-1)
    embedded_state = jnp.concatenate([embedded_group, embedded_history], axis=-1)
    return embedded_state

if __name__ == "__main__":
    import jax
    _d = setup_inputs()
    print(jax.jit(kernel)(*tuple(_d.values())))

</pallas_src>

<mosaic_0001>
#map = affine_map<(d0, d1) -> (0)>
#map1 = affine_map<(d0, d1) -> (0, 0)>
module attributes {stable_mosaic.version = 14 : i64} {
  func.func @_embed_sc(%arg0: i32, %arg1: i32, %arg2: memref<50xi32, #tpu.memory_space<hbm>>, %arg3: memref<200xi32, #tpu.memory_space<hbm>>, %arg4: memref<64x100001xf32, #tpu.memory_space<hbm>>, %arg5: memref<64x1000001xf32, #tpu.memory_space<hbm>>, %arg6: memref<200x64xf32, #tpu.memory_space<hbm>>, %arg7: memref<8x64xf32, #tpu.memory_space<hbm>>, %arg8: memref<16xi32, #tpu.memory_space<vmem>>, %arg9: memref<8x64x128xf32, #tpu.memory_space<vmem>>, %arg10: memref<8x64xf32, #tpu.memory_space<vmem>>, %arg11: memref<!tpu.dma_semaphore, #tpu.memory_space<semaphore_mem>>) attributes {dimension_semantics = [#tpu.dimension_semantics<core_parallel>, #tpu.dimension_semantics<subcore_parallel>], iteration_bounds = array<i64: 2, 16>, scalar_prefetch = 0 : i64, scratch_operands = 4 : i64, tpu.core_type = #tpu.core_type<sc_vector_subcore>, window_params = [{transform_indices = #map}, {transform_indices = #map}, {transform_indices = #map1}, {transform_indices = #map1}, {transform_indices = #map1}, {transform_indices = #map1}]} {
    %mul3A = arith.constant 2 : i32
    %mul3A_0 = arith.muli %arg1, %mul3A : i32
    %add3A = arith.addi %mul3A_0, %arg0 : i32
    %iota3A = tpu.iota {dimensions = array<i32: 0>} : vector<16xi32>
    %add3A_1 = arith.constant 0 : i32
    %add3A_2 = vector.broadcast %add3A_1 : i32 to vector<16xi32>
    %add3A_3 = arith.addi %add3A_2, %iota3A : vector<16xi32>
    %iota3A_4 = tpu.iota {dimensions = array<i32: 0>} : vector<16xi32>
    %add3A_5 = arith.constant 16 : i32
    %add3A_6 = vector.broadcast %add3A_5 : i32 to vector<16xi32>
    %add3A_7 = arith.addi %add3A_6, %iota3A_4 : vector<16xi32>
    %iota3A_8 = tpu.iota {dimensions = array<i32: 0>} : vector<16xi32>
    %add3A_9 = arith.constant 32 : i32
    %add3A_10 = vector.broadcast %add3A_9 : i32 to vector<16xi32>
    %add3A_11 = arith.addi %add3A_10, %iota3A_8 : vector<16xi32>
    %iota3A_12 = tpu.iota {dimensions = array<i32: 0>} : vector<16xi32>
    %add3A_13 = arith.constant 48 : i32
    %add3A_14 = vector.broadcast %add3A_13 : i32 to vector<16xi32>
    %add3A_15 = arith.addi %add3A_14, %iota3A_12 : vector<16xi32>
    %lt3A = arith.constant 25 : i32
    %lt3A_16 = arith.cmpi slt, %add3A, %lt3A : i32
    %convert_element_type3A = arith.extui %lt3A_16 : i1 to i32
    %cond3A = arith.constant 0 : i32
    %cond3A_17 = arith.cmpi ne, %convert_element_type3A, %cond3A : i32
    scf.if %cond3A_17 {
      %mul3A_22 = arith.constant 8 : i32
      %mul3A_23 = arith.muli %add3A, %mul3A_22 : i32
      "tpu.region"() ({
        %run_scoped3A = tpu.sem_alloc : memref<!tpu.dma_semaphore, #tpu.memory_space<semaphore_mem>>
        %dma_start3A = arith.constant 0 : i32
        %dma_start3A_47 = tpu.memref_slice %arg8[%dma_start3A] : memref<16xi32, #tpu.memory_space<vmem>> -> memref<8xi32, #tpu.memory_space<vmem>>
        %dma_start3A_48 = tpu.memref_slice %arg3[%mul3A_23] : memref<200xi32, #tpu.memory_space<hbm>> -> memref<8xi32, #tpu.memory_space<hbm>>
        %dma_start3A_49 = arith.constant 0 : i32
        %dma_start3A_50 = tpu.memref_slice %arg8[%dma_start3A_49] : memref<16xi32, #tpu.memory_space<vmem>> -> memref<8xi32, #tpu.memory_space<vmem>>
        %dma_start3A_51 = tpu.memref_slice %arg3[%mul3A_23] : memref<200xi32, #tpu.memory_space<hbm>> -> memref<8xi32, #tpu.memory_space<hbm>>
        tpu.enqueue_dma source(%dma_start3A_51 : memref<8xi32, #tpu.memory_space<hbm>>) target(%dma_start3A_50 : memref<8xi32, #tpu.memory_space<vmem>>) target_semaphore(%run_scoped3A : memref<!tpu.dma_semaphore, #tpu.memory_space<semaphore_mem>>)
        %dma_wait3A = arith.constant 0 : i32
        %dma_wait3A_52 = tpu.memref_slice %arg8[%dma_wait3A] : memref<16xi32, #tpu.memory_space<vmem>> -> memref<8xi32, #tpu.memory_space<vmem>>
        %dma_wait3A_53 = tpu.memref_slice %arg3[%mul3A_23] : memref<200xi32, #tpu.memory_space<hbm>> -> memref<8xi32, #tpu.memory_space<hbm>>
        %dma_wait3A_54 = arith.constant 0 : i32
        %dma_wait3A_55 = tpu.memref_slice %arg8[%dma_wait3A_54] : memref<16xi32, #tpu.memory_space<vmem>> -> memref<8xi32, #tpu.memory_space<vmem>>
        %dma_wait3A_56 = tpu.memref_slice %arg3[%mul3A_23] : memref<200xi32, #tpu.memory_space<hbm>> -> memref<8xi32, #tpu.memory_space<hbm>>
        tpu.wait_dma2 semaphore(%run_scoped3A : memref<!tpu.dma_semaphore, #tpu.memory_space<semaphore_mem>>) src(%dma_wait3A_56 : memref<8xi32, #tpu.memory_space<hbm>>) dst(%dma_wait3A_55 : memref<8xi32, #tpu.memory_space<vmem>>)
        tpu.yield
      }) : () -> ()
      %get3A = arith.constant 0 : index
      %get3A_24 = tpu.vector_load %arg8[%get3A] {strides = array<i32>} : memref<16xi32, #tpu.memory_space<vmem>>, vector<16xi32>,
      %jit3A = arith.constant 0 : i32
      %jit3A_25 = arith.constant 1000000 : i32
      %max3A = vector.broadcast %jit3A : i32 to vector<16xi32>
      %max3A_26 = arith.maxsi %max3A, %get3A_24 : vector<16xi32>
      %min3A = vector.broadcast %jit3A_25 : i32 to vector<16xi32>
      %min3A_27 = arith.minsi %min3A, %max3A_26 : vector<16xi32>
      %scan3A = arith.constant 0 : i32
      %scan3A_28 = arith.constant 0 : i32
      %scan3A_29 = arith.constant 8 : i32
      %scan3A_30 = arith.addi %scan3A_28, %scan3A_29 : i32
      %scan3A_31 = arith.constant 1 : i32
      scf.for %scan3A_47 = %scan3A_28 to %scan3A_30 step %scan3A_31  : i32 {
        %broadcast_in_dim3A = vector.broadcast %scan3A_47 : i32 to vector<16x1xi32>
        %gather3A = vector.shape_cast %broadcast_in_dim3A : vector<16x1xi32> to vector<16xi32>
        %gather3A_48 = tpu.dynamic_gather %min3A_27[%gather3A] in [0] : vector<16xi32>, vector<16xi32> -> vector<16xi32>
        %slice3A = vector.extract_strided_slice %gather3A_48 {offsets = [0], sizes = [1], strides = [1]} : vector<16xi32> to vector<1xi32>
        %squeeze3A = vector.extract %slice3A[0] : i32 from vector<1xi32>
        %shift_right_arithmetic3A = arith.constant 7 : i32
        %shift_right_arithmetic3A_49 = arith.shrsi %squeeze3A, %shift_right_arithmetic3A : i32
        %mul3A_50 = arith.constant 128 : i32
        %mul3A_51 = arith.muli %shift_right_arithmetic3A_49, %mul3A_50 : i32
        %multiple_of3A = tpu.assume_multiple %mul3A_51, 128 : i32
        %dma_start3A = arith.constant 0 : i32
        %dma_start3A_52 = arith.constant 0 : i32
        %dma_start3A_53 = tpu.memref_slice %arg9[%scan3A_47, %dma_start3A, %dma_start3A_52] : memref<8x64x128xf32, #tpu.memory_space<vmem>> -> memref<1x64x128xf32, #tpu.memory_space<vmem>>
        %dma_start3A_54 = tpu.memref_squeeze %dma_start3A_53 : memref<1x64x128xf32, #tpu.memory_space<vmem>> -> memref<64x128xf32, #tpu.memory_space<vmem>>
        %dma_start3A_55 = arith.constant 0 : i32
        %dma_start3A_56 = tpu.memref_slice %arg5[%dma_start3A_55, %multiple_of3A] : memref<64x1000001xf32, #tpu.memory_space<hbm>> -> memref<64x128xf32, #tpu.memory_space<hbm>>
        %dma_start3A_57 = arith.constant 0 : i32
        %dma_start3A_58 = arith.constant 0 : i32
        %dma_start3A_59 = tpu.memref_slice %arg9[%scan3A_47, %dma_start3A_57, %dma_start3A_58] : memref<8x64x128xf32, #tpu.memory_space<vmem>> -> memref<1x64x128xf32, #tpu.memory_space<vmem>>
        %dma_start3A_60 = tpu.memref_squeeze %dma_start3A_59 : memref<1x64x128xf32, #tpu.memory_space<vmem>> -> memref<64x128xf32, #tpu.memory_space<vmem>>
        %dma_start3A_61 = arith.constant 0 : i32
        %dma_start3A_62 = tpu.memref_slice %arg5[%dma_start3A_61, %multiple_of3A] : memref<64x1000001xf32, #tpu.memory_space<hbm>> -> memref<64x128xf32, #tpu.memory_space<hbm>>
        tpu.enqueue_dma source(%dma_start3A_62 : memref<64x128xf32, #tpu.memory_space<hbm>>) target(%dma_start3A_60 : memref<64x128xf32, #tpu.memory_space<vmem>>) target_semaphore(%arg11 : memref<!tpu.dma_semaphore, #tpu.memory_space<semaphore_mem>>)
      }
      %scan3A_32 = arith.constant 8 : i32
      %scan3A_33 = arith.constant 0 : i32
      %scan3A_34 = arith.constant 0 : i32
      %scan3A_35 = arith.constant 8 : i32
      %scan3A_36 = arith.addi %scan3A_34, %scan3A_35 : i32
      %scan3A_37 = arith.constant 1 : i32
      scf.for %scan3A_47 = %scan3A_34 to %scan3A_36 step %scan3A_37  : i32 {
        %dma_wait3A = arith.constant 0 : i32
        %dma_wait3A_48 = arith.constant 0 : i32
        %dma_wait3A_49 = tpu.memref_slice %arg9[%scan3A_47, %dma_wait3A, %dma_wait3A_48] : memref<8x64x128xf32, #tpu.memory_space<vmem>> -> memref<1x64x128xf32, #tpu.memory_space<vmem>>
        %dma_wait3A_50 = tpu.memref_squeeze %dma_wait3A_49 : memref<1x64x128xf32, #tpu.memory_space<vmem>> -> memref<64x128xf32, #tpu.memory_space<vmem>>
        %dma_wait3A_51 = arith.constant 0 : i32
        %dma_wait3A_52 = arith.constant 0 : i32
        %dma_wait3A_53 = tpu.memref_slice %arg5[%dma_wait3A_51, %dma_wait3A_52] : memref<64x1000001xf32, #tpu.memory_space<hbm>> -> memref<64x128xf32, #tpu.memory_space<hbm>>
        %dma_wait3A_54 = arith.constant 0 : i32
        %dma_wait3A_55 = arith.constant 0 : i32
        %dma_wait3A_56 = tpu.memref_slice %arg9[%scan3A_47, %dma_wait3A_54, %dma_wait3A_55] : memref<8x64x128xf32, #tpu.memory_space<vmem>> -> memref<1x64x128xf32, #tpu.memory_space<vmem>>
        %dma_wait3A_57 = tpu.memref_squeeze %dma_wait3A_56 : memref<1x64x128xf32, #tpu.memory_space<vmem>> -> memref<64x128xf32, #tpu.memory_space<vmem>>
        %dma_wait3A_58 = arith.constant 0 : i32
        %dma_wait3A_59 = arith.constant 0 : i32
        %dma_wait3A_60 = tpu.memref_slice %arg5[%dma_wait3A_58, %dma_wait3A_59] : memref<64x1000001xf32, #tpu.memory_space<hbm>> -> memref<64x128xf32, #tpu.memory_space<hbm>>
        tpu.wait_dma2 semaphore(%arg11 : memref<!tpu.dma_semaphore, #tpu.memory_space<semaphore_mem>>) src(%dma_wait3A_60 : memref<64x128xf32, #tpu.memory_space<hbm>>) dst(%dma_wait3A_57 : memref<64x128xf32, #tpu.memory_space<vmem>>)
      }
      %scan3A_38 = arith.constant 8 : i32
      %and3A = arith.constant 127 : i32
      %and3A_39 = vector.broadcast %and3A : i32 to vector<16xi32>
      %and3A_40 = arith.andi %min3A_27, %and3A_39 : vector<16xi32>
      %scan3A_41 = arith.constant 0 : i32
      %scan3A_42 = arith.constant 0 : i32
      %scan3A_43 = arith.constant 8 : i32
      %scan3A_44 = arith.addi %scan3A_42, %scan3A_43 : i32
      %scan3A_45 = arith.constant 1 : i32
      scf.for %scan3A_47 = %scan3A_42 to %scan3A_44 step %scan3A_45  : i32 {
        %broadcast_in_dim3A = vector.broadcast %scan3A_47 : i32 to vector<16xi32>
        %broadcast_in_dim3A_48 = vector.broadcast %scan3A_47 : i32 to vector<16x1xi32>
        %gather3A = vector.shape_cast %broadcast_in_dim3A_48 : vector<16x1xi32> to vector<16xi32>
        %gather3A_49 = tpu.dynamic_gather %and3A_40[%gather3A] in [0] : vector<16xi32>, vector<16xi32> -> vector<16xi32>
        %slice3A = vector.extract_strided_slice %gather3A_49 {offsets = [0], sizes = [1], strides = [1]} : vector<16xi32> to vector<1xi32>
        %squeeze3A = vector.extract %slice3A[0] : i32 from vector<1xi32>
        %broadcast_in_dim3A_50 = vector.broadcast %squeeze3A : i32 to vector<16xi32>
        %gather3A_51 = tpu.vector_load_idx %arg9[%broadcast_in_dim3A, %add3A_3, %broadcast_in_dim3A_50] : memref<8x64x128xf32, #tpu.memory_space<vmem>>[vector<16xi32>, vector<16xi32>, vector<16xi32>], vector<16xf32>,
        %swap3A = arith.index_cast %scan3A_47 : i32 to index
        %swap3A_52 = arith.constant 0 : index
        %swap3A_53 = tpu.vector_load %arg10[%swap3A, %swap3A_52] {strides = array<i32>} : memref<8x64xf32, #tpu.memory_space<vmem>>, vector<16xf32>,
        tpu.vector_store %arg10[%swap3A, %swap3A_52], %gather3A_51 {strides = array<i32>} : memref<8x64xf32, #tpu.memory_space<vmem>>, vector<16xf32>,
        %gather3A_54 = tpu.vector_load_idx %arg9[%broadcast_in_dim3A, %add3A_7, %broadcast_in_dim3A_50] : memref<8x64x128xf32, #tpu.memory_space<vmem>>[vector<16xi32>, vector<16xi32>, vector<16xi32>], vector<16xf32>,
        %swap3A_55 = arith.index_cast %scan3A_47 : i32 to index
        %swap3A_56 = arith.constant 16 : index
        %swap3A_57 = tpu.vector_load %arg10[%swap3A_55, %swap3A_56] {strides = array<i32>} : memref<8x64xf32, #tpu.memory_space<vmem>>, vector<16xf32>,
        tpu.vector_store %arg10[%swap3A_55, %swap3A_56], %gather3A_54 {strides = array<i32>} : memref<8x64xf32, #tpu.memory_space<vmem>>, vector<16xf32>,
        %gather3A_58 = tpu.vector_load_idx %arg9[%broadcast_in_dim3A, %add3A_11, %broadcast_in_dim3A_50] : memref<8x64x128xf32, #tpu.memory_space<vmem>>[vector<16xi32>, vector<16xi32>, vector<16xi32>], vector<16xf32>,
        %swap3A_59 = arith.index_cast %scan3A_47 : i32 to index
        %swap3A_60 = arith.constant 32 : index
        %swap3A_61 = tpu.vector_load %arg10[%swap3A_59, %swap3A_60] {strides = array<i32>} : memref<8x64xf32, #tpu.memory_space<vmem>>, vector<16xf32>,
        tpu.vector_store %arg10[%swap3A_59, %swap3A_60], %gather3A_58 {strides = array<i32>} : memref<8x64xf32, #tpu.memory_space<vmem>>, vector<16xf32>,
        %gather3A_62 = tpu.vector_load_idx %arg9[%broadcast_in_dim3A, %add3A_15, %broadcast_in_dim3A_50] : memref<8x64x128xf32, #tpu.memory_space<vmem>>[vector<16xi32>, vector<16xi32>, vector<16xi32>], vector<16xf32>,
        %swap3A_63 = arith.index_cast %scan3A_47 : i32 to index
        %swap3A_64 = arith.constant 48 : index
        %swap3A_65 = tpu.vector_load %arg10[%swap3A_63, %swap3A_64] {strides = array<i32>} : memref<8x64xf32, #tpu.memory_space<vmem>>, vector<16xf32>,
        tpu.vector_store %arg10[%swap3A_63, %swap3A_64], %gather3A_62 {strides = array<i32>} : memref<8x64xf32, #tpu.memory_space<vmem>>, vector<16xf32>,
      }
      %scan3A_46 = arith.constant 8 : i32
      "tpu.region"() ({
        %run_scoped3A = tpu.sem_alloc : memref<!tpu.dma_semaphore, #tpu.memory_space<semaphore_mem>>
        %dma_start3A = arith.constant 0 : i32
        %dma_start3A_47 = tpu.memref_slice %arg6[%mul3A_23, %dma_start3A] : memref<200x64xf32, #tpu.memory_space<hbm>> -> memref<8x64xf32, #tpu.memory_space<hbm>>
        %dma_start3A_48 = arith.constant 0 : i32
        %dma_start3A_49 = tpu.memref_slice %arg6[%mul3A_23, %dma_start3A_48] : memref<200x64xf32, #tpu.memory_space<hbm>> -> memref<8x64xf32, #tpu.memory_space<hbm>>
        tpu.enqueue_dma source(%arg10 : memref<8x64xf32, #tpu.memory_space<vmem>>) target(%dma_start3A_49 : memref<8x64xf32, #tpu.memory_space<hbm>>) target_semaphore(%run_scoped3A : memref<!tpu.dma_semaphore, #tpu.memory_space<semaphore_mem>>)
        %dma_wait3A = arith.constant 0 : i32
        %dma_wait3A_50 = tpu.memref_slice %arg6[%mul3A_23, %dma_wait3A] : memref<200x64xf32, #tpu.memory_space<hbm>> -> memref<8x64xf32, #tpu.memory_space<hbm>>
        %dma_wait3A_51 = arith.constant 0 : i32
        %dma_wait3A_52 = tpu.memref_slice %arg6[%mul3A_23, %dma_wait3A_51] : memref<200x64xf32, #tpu.memory_space<hbm>> -> memref<8x64xf32, #tpu.memory_space<hbm>>
        tpu.wait_dma2 semaphore(%run_scoped3A : memref<!tpu.dma_semaphore, #tpu.memory_space<semaphore_mem>>) src(%arg10 : memref<8x64xf32, #tpu.memory_space<vmem>>) dst(%dma_wait3A_52 : memref<8x64xf32, #tpu.memory_space<hbm>>)
        tpu.yield
      }) : () -> ()
    } else {
    }
    %ge3A = arith.constant 25 : i32
    %ge3A_18 = arith.cmpi sge, %add3A, %ge3A : i32
    %convert_element_type3A_19 = arith.extui %ge3A_18 : i1 to i32
    %cond3A_20 = arith.constant 0 : i32
    %cond3A_21 = arith.cmpi ne, %convert_element_type3A_19, %cond3A_20 : i32
    scf.if %cond3A_21 {
      %sub3A = arith.constant 25 : i32
      %sub3A_22 = arith.subi %add3A, %sub3A : i32
      %mul3A_23 = arith.constant 8 : i32
      %mul3A_24 = arith.muli %sub3A_22, %mul3A_23 : i32
      "tpu.region"() ({
        %run_scoped3A = tpu.sem_alloc : memref<!tpu.dma_semaphore, #tpu.memory_space<semaphore_mem>>
        %dma_start3A = arith.constant 0 : i32
        %dma_start3A_64 = tpu.memref_slice %arg8[%dma_start3A] : memref<16xi32, #tpu.memory_space<vmem>> -> memref<8xi32, #tpu.memory_space<vmem>>
        %dma_start3A_65 = tpu.memref_slice %arg2[%mul3A_24] : memref<50xi32, #tpu.memory_space<hbm>> -> memref<8xi32, #tpu.memory_space<hbm>>
        %dma_start3A_66 = arith.constant 0 : i32
        %dma_start3A_67 = tpu.memref_slice %arg8[%dma_start3A_66] : memref<16xi32, #tpu.memory_space<vmem>> -> memref<8xi32, #tpu.memory_space<vmem>>
        %dma_start3A_68 = tpu.memref_slice %arg2[%mul3A_24] : memref<50xi32, #tpu.memory_space<hbm>> -> memref<8xi32, #tpu.memory_space<hbm>>
        tpu.enqueue_dma source(%dma_start3A_68 : memref<8xi32, #tpu.memory_space<hbm>>) target(%dma_start3A_67 : memref<8xi32, #tpu.memory_space<vmem>>) target_semaphore(%run_scoped3A : memref<!tpu.dma_semaphore, #tpu.memory_space<semaphore_mem>>)
        %dma_wait3A = arith.constant 0 : i32
        %dma_wait3A_69 = tpu.memref_slice %arg8[%dma_wait3A] : memref<16xi32, #tpu.memory_space<vmem>> -> memref<8xi32, #tpu.memory_space<vmem>>
        %dma_wait3A_70 = tpu.memref_slice %arg2[%mul3A_24] : memref<50xi32, #tpu.memory_space<hbm>> -> memref<8xi32, #tpu.memory_space<hbm>>
        %dma_wait3A_71 = arith.constant 0 : i32
        %dma_wait3A_72 = tpu.memref_slice %arg8[%dma_wait3A_71] : memref<16xi32, #tpu.memory_space<vmem>> -> memref<8xi32, #tpu.memory_space<vmem>>
        %dma_wait3A_73 = tpu.memref_slice %arg2[%mul3A_24] : memref<50xi32, #tpu.memory_space<hbm>> -> memref<8xi32, #tpu.memory_space<hbm>>
        tpu.wait_dma2 semaphore(%run_scoped3A : memref<!tpu.dma_semaphore, #tpu.memory_space<semaphore_mem>>) src(%dma_wait3A_73 : memref<8xi32, #tpu.memory_space<hbm>>) dst(%dma_wait3A_72 : memref<8xi32, #tpu.memory_space<vmem>>)
        tpu.yield
      }) : () -> ()
      %get3A = arith.constant 0 : index
      %get3A_25 = tpu.vector_load %arg8[%get3A] {strides = array<i32>} : memref<16xi32, #tpu.memory_space<vmem>>, vector<16xi32>,
      %jit3A = arith.constant 0 : i32
      %jit3A_26 = arith.constant 100000 : i32
      %max3A = vector.broadcast %jit3A : i32 to vector<16xi32>
      %max3A_27 = arith.maxsi %max3A, %get3A_25 : vector<16xi32>
      %min3A = vector.broadcast %jit3A_26 : i32 to vector<16xi32>
      %min3A_28 = arith.minsi %min3A, %max3A_27 : vector<16xi32>
      %scan3A = arith.constant 0 : i32
      %scan3A_29 = arith.constant 0 : i32
      %scan3A_30 = arith.constant 8 : i32
      %scan3A_31 = arith.addi %scan3A_29, %scan3A_30 : i32
      %scan3A_32 = arith.constant 1 : i32
      scf.for %scan3A_64 = %scan3A_29 to %scan3A_31 step %scan3A_32  : i32 {
        %broadcast_in_dim3A_65 = vector.broadcast %scan3A_64 : i32 to vector<16x1xi32>
        %gather3A = vector.shape_cast %broadcast_in_dim3A_65 : vector<16x1xi32> to vector<16xi32>
        %gather3A_66 = tpu.dynamic_gather %min3A_28[%gather3A] in [0] : vector<16xi32>, vector<16xi32> -> vector<16xi32>
        %slice3A = vector.extract_strided_slice %gather3A_66 {offsets = [0], sizes = [1], strides = [1]} : vector<16xi32> to vector<1xi32>
        %squeeze3A = vector.extract %slice3A[0] : i32 from vector<1xi32>
        %shift_right_arithmetic3A = arith.constant 7 : i32
        %shift_right_arithmetic3A_67 = arith.shrsi %squeeze3A, %shift_right_arithmetic3A : i32
        %mul3A_68 = arith.constant 128 : i32
        %mul3A_69 = arith.muli %shift_right_arithmetic3A_67, %mul3A_68 : i32
        %multiple_of3A = tpu.assume_multiple %mul3A_69, 128 : i32
        %dma_start3A = arith.constant 0 : i32
        %dma_start3A_70 = arith.constant 0 : i32
        %dma_start3A_71 = tpu.memref_slice %arg9[%scan3A_64, %dma_start3A, %dma_start3A_70] : memref<8x64x128xf32, #tpu.memory_space<vmem>> -> memref<1x64x128xf32, #tpu.memory_space<vmem>>
        %dma_start3A_72 = tpu.memref_squeeze %dma_start3A_71 : memref<1x64x128xf32, #tpu.memory_space<vmem>> -> memref<64x128xf32, #tpu.memory_space<vmem>>
        %dma_start3A_73 = arith.constant 0 : i32
        %dma_start3A_74 = tpu.memref_slice %arg4[%dma_start3A_73, %multiple_of3A] : memref<64x100001xf32, #tpu.memory_space<hbm>> -> memref<64x128xf32, #tpu.memory_space<hbm>>
        %dma_start3A_75 = arith.constant 0 : i32
        %dma_start3A_76 = arith.constant 0 : i32
        %dma_start3A_77 = tpu.memref_slice %arg9[%scan3A_64, %dma_start3A_75, %dma_start3A_76] : memref<8x64x128xf32, #tpu.memory_space<vmem>> -> memref<1x64x128xf32, #tpu.memory_space<vmem>>
        %dma_start3A_78 = tpu.memref_squeeze %dma_start3A_77 : memref<1x64x128xf32, #tpu.memory_space<vmem>> -> memref<64x128xf32, #tpu.memory_space<vmem>>
        %dma_start3A_79 = arith.constant 0 : i32
        %dma_start3A_80 = tpu.memref_slice %arg4[%dma_start3A_79, %multiple_of3A] : memref<64x100001xf32, #tpu.memory_space<hbm>> -> memref<64x128xf32, #tpu.memory_space<hbm>>
        tpu.enqueue_dma source(%dma_start3A_80 : memref<64x128xf32, #tpu.memory_space<hbm>>) target(%dma_start3A_78 : memref<64x128xf32, #tpu.memory_space<vmem>>) target_semaphore(%arg11 : memref<!tpu.dma_semaphore, #tpu.memory_space<semaphore_mem>>)
      }
      %scan3A_33 = arith.constant 8 : i32
      %scan3A_34 = arith.constant 0 : i32
      %scan3A_35 = arith.constant 0 : i32
      %scan3A_36 = arith.constant 8 : i32
      %scan3A_37 = arith.addi %scan3A_35, %scan3A_36 : i32
      %scan3A_38 = arith.constant 1 : i32
      scf.for %scan3A_64 = %scan3A_35 to %scan3A_37 step %scan3A_38  : i32 {
        %dma_wait3A = arith.constant 0 : i32
        %dma_wait3A_65 = arith.constant 0 : i32
        %dma_wait3A_66 = tpu.memref_slice %arg9[%scan3A_64, %dma_wait3A, %dma_wait3A_65] : memref<8x64x128xf32, #tpu.memory_space<vmem>> -> memref<1x64x128xf32, #tpu.memory_space<vmem>>
        %dma_wait3A_67 = tpu.memref_squeeze %dma_wait3A_66 : memref<1x64x128xf32, #tpu.memory_space<vmem>> -> memref<64x128xf32, #tpu.memory_space<vmem>>
        %dma_wait3A_68 = arith.constant 0 : i32
        %dma_wait3A_69 = arith.constant 0 : i32
        %dma_wait3A_70 = tpu.memref_slice %arg4[%dma_wait3A_68, %dma_wait3A_69] : memref<64x100001xf32, #tpu.memory_space<hbm>> -> memref<64x128xf32, #tpu.memory_space<hbm>>
        %dma_wait3A_71 = arith.constant 0 : i32
        %dma_wait3A_72 = arith.constant 0 : i32
        %dma_wait3A_73 = tpu.memref_slice %arg9[%scan3A_64, %dma_wait3A_71, %dma_wait3A_72] : memref<8x64x128xf32, #tpu.memory_space<vmem>> -> memref<1x64x128xf32, #tpu.memory_space<vmem>>
        %dma_wait3A_74 = tpu.memref_squeeze %dma_wait3A_73 : memref<1x64x128xf32, #tpu.memory_space<vmem>> -> memref<64x128xf32, #tpu.memory_space<vmem>>
        %dma_wait3A_75 = arith.constant 0 : i32
        %dma_wait3A_76 = arith.constant 0 : i32
        %dma_wait3A_77 = tpu.memref_slice %arg4[%dma_wait3A_75, %dma_wait3A_76] : memref<64x100001xf32, #tpu.memory_space<hbm>> -> memref<64x128xf32, #tpu.memory_space<hbm>>
        tpu.wait_dma2 semaphore(%arg11 : memref<!tpu.dma_semaphore, #tpu.memory_space<semaphore_mem>>) src(%dma_wait3A_77 : memref<64x128xf32, #tpu.memory_space<hbm>>) dst(%dma_wait3A_74 : memref<64x128xf32, #tpu.memory_space<vmem>>)
      }
      %scan3A_39 = arith.constant 8 : i32
      %and3A = arith.constant 127 : i32
      %and3A_40 = vector.broadcast %and3A : i32 to vector<16xi32>
      %and3A_41 = arith.andi %min3A_28, %and3A_40 : vector<16xi32>
      %broadcast_in_dim3A = arith.constant 0.000000e+00 : f32
      %broadcast_in_dim3A_42 = vector.broadcast %broadcast_in_dim3A : f32 to vector<16xf32>
      %scan3A_43 = arith.constant 0 : i32
      %scan3A_44 = arith.constant 8 : i32
      %scan3A_45 = arith.addi %scan3A_43, %scan3A_44 : i32
      %scan3A_46 = arith.constant 1 : i32
      %scan3A_47:4 = scf.for %scan3A_64 = %scan3A_43 to %scan3A_45 step %scan3A_46 iter_args(%scan3A_65 = %broadcast_in_dim3A_42, %scan3A_66 = %broadcast_in_dim3A_42, %scan3A_67 = %broadcast_in_dim3A_42, %scan3A_68 = %broadcast_in_dim3A_42) -> (vector<16xf32>, vector<16xf32>, vector<16xf32>, vector<16xf32>)  : i32 {
        %broadcast_in_dim3A_69 = vector.broadcast %scan3A_64 : i32 to vector<16xi32>
        %broadcast_in_dim3A_70 = vector.broadcast %scan3A_64 : i32 to vector<16x1xi32>
        %gather3A = vector.shape_cast %broadcast_in_dim3A_70 : vector<16x1xi32> to vector<16xi32>
        %gather3A_71 = tpu.dynamic_gather %and3A_41[%gather3A] in [0] : vector<16xi32>, vector<16xi32> -> vector<16xi32>
        %slice3A = vector.extract_strided_slice %gather3A_71 {offsets = [0], sizes = [1], strides = [1]} : vector<16xi32> to vector<1xi32>
        %squeeze3A = vector.extract %slice3A[0] : i32 from vector<1xi32>
        %broadcast_in_dim3A_72 = vector.broadcast %squeeze3A : i32 to vector<16xi32>
        %add3A_73 = arith.addi %mul3A_24, %scan3A_64 : i32
        %lt3A_74 = arith.constant 50 : i32
        %lt3A_75 = arith.cmpi slt, %add3A_73, %lt3A_74 : i32
        %broadcast_in_dim3A_76 = vector.broadcast %lt3A_75 : i1 to vector<16xi1>
        %gather3A_77 = tpu.vector_load_idx %arg9[%broadcast_in_dim3A_69, %add3A_3, %broadcast_in_dim3A_72] : memref<8x64x128xf32, #tpu.memory_space<vmem>>[vector<16xi32>, vector<16xi32>, vector<16xi32>], vector<16xf32>,
        %jit3A_78 = arith.constant 0.000000e+00 : f32
        %broadcast_in_dim3A_79 = vector.broadcast %jit3A_78 : f32 to vector<16xf32>
        %select_n3A = arith.select %broadcast_in_dim3A_76, %gather3A_77, %broadcast_in_dim3A_79 : vector<16xi1>, vector<16xf32>
        %add3A_80 = arith.addf %scan3A_65, %select_n3A : vector<16xf32>
        %gather3A_81 = tpu.vector_load_idx %arg9[%broadcast_in_dim3A_69, %add3A_7, %broadcast_in_dim3A_72] : memref<8x64x128xf32, #tpu.memory_space<vmem>>[vector<16xi32>, vector<16xi32>, vector<16xi32>], vector<16xf32>,
        %jit3A_82 = arith.constant 0.000000e+00 : f32
        %broadcast_in_dim3A_83 = vector.broadcast %jit3A_82 : f32 to vector<16xf32>
        %select_n3A_84 = arith.select %broadcast_in_dim3A_76, %gather3A_81, %broadcast_in_dim3A_83 : vector<16xi1>, vector<16xf32>
        %add3A_85 = arith.addf %scan3A_66, %select_n3A_84 : vector<16xf32>
        %gather3A_86 = tpu.vector_load_idx %arg9[%broadcast_in_dim3A_69, %add3A_11, %broadcast_in_dim3A_72] : memref<8x64x128xf32, #tpu.memory_space<vmem>>[vector<16xi32>, vector<16xi32>, vector<16xi32>], vector<16xf32>,
        %jit3A_87 = arith.constant 0.000000e+00 : f32
        %broadcast_in_dim3A_88 = vector.broadcast %jit3A_87 : f32 to vector<16xf32>
        %select_n3A_89 = arith.select %broadcast_in_dim3A_76, %gather3A_86, %broadcast_in_dim3A_88 : vector<16xi1>, vector<16xf32>
        %add3A_90 = arith.addf %scan3A_67, %select_n3A_89 : vector<16xf32>
        %gather3A_91 = tpu.vector_load_idx %arg9[%broadcast_in_dim3A_69, %add3A_15, %broadcast_in_dim3A_72] : memref<8x64x128xf32, #tpu.memory_space<vmem>>[vector<16xi32>, vector<16xi32>, vector<16xi32>], vector<16xf32>,
        %jit3A_92 = arith.constant 0.000000e+00 : f32
        %broadcast_in_dim3A_93 = vector.broadcast %jit3A_92 : f32 to vector<16xf32>
        %select_n3A_94 = arith.select %broadcast_in_dim3A_76, %gather3A_91, %broadcast_in_dim3A_93 : vector<16xi1>, vector<16xf32>
        %add3A_95 = arith.addf %scan3A_68, %select_n3A_94 : vector<16xf32>
        scf.yield %add3A_80, %add3A_85, %add3A_90, %add3A_95 : vector<16xf32>, vector<16xf32>, vector<16xf32>, vector<16xf32>
      }
      %scan3A_48 = arith.constant 8 : i32
      %swap3A = arith.constant 0 : i32
      %swap3A_49 = arith.index_cast %swap3A : i32 to index
      %swap3A_50 = arith.constant 0 : index
      %swap3A_51 = tpu.vector_load %arg10[%swap3A_49, %swap3A_50] {strides = array<i32>} : memref<8x64xf32, #tpu.memory_space<vmem>>, vector<16xf32>,
      tpu.vector_store %arg10[%swap3A_49, %swap3A_50], %scan3A_47#0 {strides = array<i32>} : memref<8x64xf32, #tpu.memory_space<vmem>>, vector<16xf32>,
      %swap3A_52 = arith.constant 0 : i32
      %swap3A_53 = arith.index_cast %swap3A_52 : i32 to index
      %swap3A_54 = arith.constant 16 : index
      %swap3A_55 = tpu.vector_load %arg10[%swap3A_53, %swap3A_54] {strides = array<i32>} : memref<8x64xf32, #tpu.memory_space<vmem>>, vector<16xf32>,
      tpu.vector_store %arg10[%swap3A_53, %swap3A_54], %scan3A_47#1 {strides = array<i32>} : memref<8x64xf32, #tpu.memory_space<vmem>>, vector<16xf32>,
      %swap3A_56 = arith.constant 0 : i32
      %swap3A_57 = arith.index_cast %swap3A_56 : i32 to index
      %swap3A_58 = arith.constant 32 : index
      %swap3A_59 = tpu.vector_load %arg10[%swap3A_57, %swap3A_58] {strides = array<i32>} : memref<8x64xf32, #tpu.memory_space<vmem>>, vector<16xf32>,
      tpu.vector_store %arg10[%swap3A_57, %swap3A_58], %scan3A_47#2 {strides = array<i32>} : memref<8x64xf32, #tpu.memory_space<vmem>>, vector<16xf32>,
      %swap3A_60 = arith.constant 0 : i32
      %swap3A_61 = arith.index_cast %swap3A_60 : i32 to index
      %swap3A_62 = arith.constant 48 : index
      %swap3A_63 = tpu.vector_load %arg10[%swap3A_61, %swap3A_62] {strides = array<i32>} : memref<8x64xf32, #tpu.memory_space<vmem>>, vector<16xf32>,
      tpu.vector_store %arg10[%swap3A_61, %swap3A_62], %scan3A_47#3 {strides = array<i32>} : memref<8x64xf32, #tpu.memory_space<vmem>>, vector<16xf32>,
      "tpu.region"() ({
        %run_scoped3A = tpu.sem_alloc : memref<!tpu.dma_semaphore, #tpu.memory_space<semaphore_mem>>
        %dma_start3A = arith.constant 0 : i32
        %dma_start3A_64 = arith.constant 0 : i32
        %dma_start3A_65 = tpu.memref_slice %arg10[%dma_start3A, %dma_start3A_64] : memref<8x64xf32, #tpu.memory_space<vmem>> -> memref<1x64xf32, #tpu.memory_space<vmem>>
        %dma_start3A_66 = arith.constant 0 : i32
        %dma_start3A_67 = tpu.memref_slice %arg7[%sub3A_22, %dma_start3A_66] : memref<8x64xf32, #tpu.memory_space<hbm>> -> memref<1x64xf32, #tpu.memory_space<hbm>>
        %dma_start3A_68 = arith.constant 0 : i32
        %dma_start3A_69 = tpu.memref_slice %arg7[%sub3A_22, %dma_start3A_68] : memref<8x64xf32, #tpu.memory_space<hbm>> -> memref<1x64xf32, #tpu.memory_space<hbm>>
        %dma_start3A_70 = arith.constant 0 : i32
        %dma_start3A_71 = arith.constant 0 : i32
        %dma_start3A_72 = tpu.memref_slice %arg10[%dma_start3A_70, %dma_start3A_71] : memref<8x64xf32, #tpu.memory_space<vmem>> -> memref<1x64xf32, #tpu.memory_space<vmem>>
        tpu.enqueue_dma source(%dma_start3A_72 : memref<1x64xf32, #tpu.memory_space<vmem>>) target(%dma_start3A_69 : memref<1x64xf32, #tpu.memory_space<hbm>>) target_semaphore(%run_scoped3A : memref<!tpu.dma_semaphore, #tpu.memory_space<semaphore_mem>>)
        %dma_wait3A = arith.constant 0 : i32
        %dma_wait3A_73 = arith.constant 0 : i32
        %dma_wait3A_74 = tpu.memref_slice %arg10[%dma_wait3A, %dma_wait3A_73] : memref<8x64xf32, #tpu.memory_space<vmem>> -> memref<1x64xf32, #tpu.memory_space<vmem>>
        %dma_wait3A_75 = arith.constant 0 : i32
        %dma_wait3A_76 = tpu.memref_slice %arg7[%sub3A_22, %dma_wait3A_75] : memref<8x64xf32, #tpu.memory_space<hbm>> -> memref<1x64xf32, #tpu.memory_space<hbm>>
        %dma_wait3A_77 = arith.constant 0 : i32
        %dma_wait3A_78 = tpu.memref_slice %arg7[%sub3A_22, %dma_wait3A_77] : memref<8x64xf32, #tpu.memory_space<hbm>> -> memref<1x64xf32, #tpu.memory_space<hbm>>
        %dma_wait3A_79 = arith.constant 0 : i32
        %dma_wait3A_80 = arith.constant 0 : i32
        %dma_wait3A_81 = tpu.memref_slice %arg10[%dma_wait3A_79, %dma_wait3A_80] : memref<8x64xf32, #tpu.memory_space<vmem>> -> memref<1x64xf32, #tpu.memory_space<vmem>>
        tpu.wait_dma2 semaphore(%run_scoped3A : memref<!tpu.dma_semaphore, #tpu.memory_space<semaphore_mem>>) src(%dma_wait3A_81 : memref<1x64xf32, #tpu.memory_space<vmem>>) dst(%dma_wait3A_78 : memref<1x64xf32, #tpu.memory_space<hbm>>)
        tpu.yield
      }) : () -> ()
    } else {
    }
    return
  }
}

</mosaic_0001>

<sc_bundles>
// kernel: kernel.3.cloned.1.call-start
scs
__scs_entry_jumppad:
0x0: {  	(pc) =	sbr.rel $0x88, $3  }
0x1: {  	(tag) =	ssettag $0x0;
	lr =	simm.s32 $0x1  }
0x2: {  	[smem:$0x3F9D] =	sst lr;
	_ =	strace $0xD0000000  }
0x3: {  	_ = 	snop  }
0x4: {  	_ = 	snop  }
0x5: {  	_ = 	snop  }
0x6: {  	_ = 	snop  }
0x7: {  	_ = 	snop  }
__scs_overlays_trampoline_lowered:
0x8: {  	[smem:$0x3FAC] =	sst s0  }
0x9: {  	[smem:$0x3FAD] =	sst s1  }
0xa: {  	[smem:$0x3FAE] =	sst s2  }
0xb: {  	[smem:$0x3FAF] =	sst s3  }
0xc: {  	[smem:$0x3FB0] =	sst s4  }
0xd: {  	[smem:$0x3FB1] =	sst s5  }
0xe: {  	[smem:$0x3FB2] =	sst s6  }
0xf: {  	[smem:$0x3FB3] =	sst s7  }
0x10: {  	[smem:$0x3FB4] =	sst s8  }
0x11: {  	[smem:$0x3FB5] =	sst s9;
	s0 =	simm.s32 @!p0 $0x0  }
0x12: {  	s1 =	sld [smem:$0x3F9B];
	s0 =	simm.s32 @p0 $0x1  }
0x13: {  	[smem:$0x3FB6] =	sst s0;
	s0 =	simm.s32 @!p1 $0x0  }
0x14: {  	s2 =	sld [smem:$0x3F9A];
	s0 =	simm.s32 @p1 $0x1  }
0x15: {  	[smem:$0x3FB7] =	sst s0;
	s0 =	simm.s32 @!p2 $0x0  }
0x16: {  	s3 =	sld [smem:$0x3FDB];
	s0 =	simm.s32 @p2 $0x1  }
0x17: {  	s4 =	simm.s32 $0x1BF5;
	[smem:$0x3FB9] =	sst s0  }
0x18: {  	s0 =	sld [smem:$0x3F9C];
	_ =	swait.ge [sflag:s4], $0x0  }
0x19: {  	s7 =	sld [smem:$0x3F9D]  }
0x1a: {  	s8 =	sadd.s32 $0xFFFFE003, lr  }
0x1b: {  	s9 =	sadd.s32 $0xFFFFFEF7, lr;
	s5 =	simm.s32 $0xFFFFFFFF;
	p2 =	slt.u32 s8, $0xFFFFF086  }
0x1c: {  	p1 =	slt.u32 s9, $0xF7A;
	s5 =	simm.s32 @!p2 $0x0  }
0x1d: {  	s5 =	simm.s32 @p1 $0x1;
	p0 =	seq.s32 s7, s2  }
0x1e: {  	s7 =	smul.u32 @!p0 $0xF7A, s2;
	p2 =	seq.s32 @!p0 s5, $0x0  }
0x1f: {  	s9 =	smul.u32 $0xF7A, s1;
	s8 =	simm.s32 @!p0 $0x1BF5;
	p2 =	por !p2, p0  }
0x20: {  	[sflag:s8] =	ssyncset.s32 @!p0 $0xFFFFF086;
	s6 =	sadd.s32 @!p0 s3, s7;
	s7 =	simm.s32 @!p0 $0x108  }
0x21: {  	s3 =	sadd.s32 s3, s9;
	s6 =	sadd.s32 @!p0 $0x88, s6;
	s7 =	simm.s32 @p2 $0x1082  }
0x22: {  	[simem:s7], [sflag:s8] =	dma.local @!p0 [hbm:s6], $0xF7A  }
0x23: {  	s9 =	sor.u32 $0xD0000000, s2;
	s6 =	simm.s32 $0x108;
	_ =	swait.ge @!p0 [sflag:s8], $0x0  }
0x24: {  	s3 =	sadd.s32 $0x88, s3;
	s6 =	simm.s32 @!p1 $0x1082;
	[sflag:s4] =	ssyncset.s32 $0xFFFFF086  }
0x25: {  	[simem:s6], [sflag:s4] =	dma.local [hbm:s3], $0xF7A  }
0x26: {  	[smem:$0x3F9D] =	sst s1;
	(tag) =	ssettag s2;
	_ =	strace s9  }
0x27: {  	s1 =	sld [smem:$0x3FAD]  }
0x28: {  	s2 =	sld [smem:$0x3FAE]  }
0x29: {  	s4 =	sld [smem:$0x3FB0]  }
0x2a: {  	p0 =	seq.s32 s5, $0x0;
	s5 =	sld [smem:$0x3FB1]  }
0x2b: {  	s6 =	sld [smem:$0x3FB2]  }
0x2c: {  	s7 =	sld [smem:$0x3FB3]  }
0x2d: {  	s3 =	simm.s32 $0x108;
	s8 =	sld [smem:$0x3FB4]  }
0x2e: {  	s3 =	simm.s32 @!p0 $0x1082;
	s9 =	sld [smem:$0x3FB5]  }
0x2f: {  	lr =	sadd.s32 s0, s3;
	s0 =	sld [smem:$0x3FAC]  }
0x30: {  	s3 =	sld [smem:$0x3FAF]  }
0x31: {  	[smem:$0x3FB8] =	sst s10  }
0x32: {  	s10 =	sld [smem:$0x3FB6];
	_ =	sdelay $0x3  }
0x33: {  	p0 =	seq.s32 s10, $0x1;
	s10 =	sld [smem:$0x3FB8];
	_ =	sdelay $0x3  }
0x34: {  	[smem:$0x3FB8] =	sst s10  }
0x35: {  	s10 =	sld [smem:$0x3FB7];
	_ =	sdelay $0x3  }
0x36: {  	p1 =	seq.s32 s10, $0x1;
	s10 =	sld [smem:$0x3FB8];
	_ =	sdelay $0x3  }
0x37: {  	[smem:$0x3FB8] =	sst s10  }
0x38: {  	s10 =	sld [smem:$0x3FB9]  }
0x39: {  	_ = 	snop;
	(pc) =	sbr.ind lr, $3  }
0x3a: {  	_ = 	snop  }
0x3b: {  	_ = 	snop  }
0x3c: {  	p2 =	seq.s32 s10, $0x1;
	s10 =	sld [smem:$0x3FB8]  }
0x3d: {  	_ =	shalt  }
0x3e: {  	_ =	shalt  }
0x3f: {  	_ =	shalt  }
0x40: {  	_ =	shalt  }
0x41: {  	_ =	shalt  }
0x42: {  	_ =	shalt  }
0x43: {  	_ =	shalt  }
0x44: {  	_ =	shalt  }
0x45: {  	_ =	shalt  }
0x46: {  	_ =	shalt  }
0x47: {  	_ =	shalt  }
0x48: {  	_ =	shalt  }
0x49: {  	_ =	shalt  }
0x4a: {  	_ =	shalt  }
0x4b: {  	_ =	shalt  }
0x4c: {  	_ =	shalt  }
0x4d: {  	_ =	shalt  }
0x4e: {  	_ =	shalt  }
0x4f: {  	_ =	shalt  }
0x50: {  	_ =	shalt  }
0x51: {  	_ =	shalt  }
0x52: {  	_ =	shalt  }
0x53: {  	_ =	shalt  }
0x54: {  	_ =	shalt  }
0x55: {  	_ =	shalt  }
0x56: {  	_ =	shalt  }
0x57: {  	_ =	shalt  }
0x58: {  	_ =	shalt  }
0x59: {  	_ =	shalt  }
0x5a: {  	_ =	shalt  }
0x5b: {  	_ =	shalt  }
0x5c: {  	_ =	shalt  }
0x5d: {  	_ =	shalt  }
0x5e: {  	_ =	shalt  }
0x5f: {  	_ =	shalt  }
0x60: {  	_ =	shalt  }
0x61: {  	_ =	shalt  }
0x62: {  	_ =	shalt  }
0x63: {  	_ =	shalt  }
0x64: {  	_ =	shalt  }
0x65: {  	_ =	shalt  }
0x66: {  	_ =	shalt  }
0x67: {  	_ =	shalt  }
0x68: {  	_ =	shalt  }
0x69: {  	_ =	shalt  }
0x6a: {  	_ =	shalt  }
0x6b: {  	_ =	shalt  }
0x6c: {  	_ =	shalt  }
0x6d: {  	_ =	shalt  }
0x6e: {  	_ =	shalt  }
0x6f: {  	_ =	shalt  }
0x70: {  	_ =	shalt  }
0x71: {  	_ =	shalt  }
0x72: {  	_ =	shalt  }
0x73: {  	_ =	shalt  }
0x74: {  	_ =	shalt  }
0x75: {  	_ =	shalt  }
0x76: {  	_ =	shalt  }
0x77: {  	_ =	shalt  }
0x78: {  	_ =	shalt  }
0x79: {  	_ =	shalt  }
0x7a: {  	_ =	shalt  }
0x7b: {  	_ =	shalt  }
0x7c: {  	_ =	shalt  }
0x7d: {  	_ =	shalt  }
0x7e: {  	_ =	shalt  }
0x7f: {  	_ =	shalt  }
0x80: {  	_ =	shalt  }
0x81: {  	_ =	shalt  }
0x82: {  	_ =	shalt  }
0x83: {  	_ =	shalt  }
0x84: {  	_ =	shalt  }
0x85: {  	_ =	shalt  }
0x86: {  	_ =	shalt  }
0x87: {  	_ =	shalt  }
.Lfunc_end0:
.L_simem_size_0:
called_computation_lowered:
.L_overlay_start_0:
0x88: {  	s2 =	sld [smem:$0x3FD9]  }
0x89: {  	s3 =	sld [smem:$0x3FFE];
	_ =	sdelay $0x1  }
0x8a: {  	s1 =	srdreg.scid  }
0x8b: {  	s0 =	sand.u32 $0x1, s1  }
0x8c: {  	s17 =	sshll.u32 s0, $0xA;
	s2 =	sadd.s32 s3, s2  }
0x8d: {  	s2 =	sadd.s32 s2, s17  }
0x8e: {  	[smem:$0x3FC4] =	sst s2  }
0x8f: {  	_ = 	snop  }
0x90: {  	s2 =	sld [smem:$0x3FC9]  }
0x91: {  	s18 =	sld [smem:$0x3FC8]  }
0x92: {  	s4 =	sld [smem:$0x3FC7]  }
0x93: {  	s5 =	sld [smem:$0x3FC6]  }
0x94: {  	s6 =	sld [smem:$0x3FD0];
	(tm) =	ssettm $0x1  }
0x95: {  	s7 =	sld [smem:$0x3FFB];
	_ =	sdelay $0x3  }
0x96: {  	_ =	strace s7  }
0x97: {  	s7 =	sld [smem:$0x3FFC];
	_ =	sdelay $0x3  }
0x98: {  	_ =	strace s7  }
0x99: {  	s7 =	sld [smem:$0x3FFD];
	_ =	sdelay $0x3  }
0x9a: {  	_ =	strace s7  }
0x9b: {  	_ =	strace $0x8FFFFFFF  }
0x9c: {  	s19 =	sld [smem:$0x3FDB];
	_ =	sdelay $0x1  }
0x9d: {  	s8 =	simm.s32 $_scs_section_size  }
0x9e: {  	s9 =	simm.s32 $_size__tile_overlayer_lowered;
	s10 =	simm.s32 $_tile_overlayer_lowered  }
0x9f: {  	s22 =	simm.s32 $0x1BFF;
	s21 =	sshll.u32 s10, $0x1;
	s7 =	sadd.s32 s8, s19  }
0xa0: {  	s11 =	simm.s32 $0x0;
	s20 =	sshll.u32 s9, $0x1;
	s9 =	sadd.s32 s21, s7  }
0xa1: {  	[timem:s11], [sflag:s22] =	dma.local [hbm:s9], s20  }
0xa2: {  	_ =	swait.ge [sflag:s22], s20  }
0xa3: {  	s8 =	ssub.s32 $0x0, s20;
	[sflag:s22] =	ssyncset.done $0x0  }
0xa4: {  	[sflag:s22] =	ssyncadd.s32 s8;
	_ =	sdelay $0x1  }
0xa5: {  	s23 =	simm.s32 $0x1B8B  }
0xa6: {  	_ =	swait.ge [sflag:s23], $0x1  }
0xa7: {  	[sflag:s23] =	ssyncset.done $0x0  }
0xa8: {  	s25 =	simm.s32 $0x1B8E;
	s24 =	sld [smem:$0x3FFE];
	[sflag:s23] =	ssyncadd.s32 $0xFFFFFFFF  }
0xa9: {  	s26 =	simm.s32 $execute0_lowered;
	[smem:$0x3FD2] =	sst s25  }
0xaa: {  	s9 =	sshll.u32 s26, $0x1;
	_ =	strace $0x80000046;
	[dreg:$0x1] =	wrdreg $0xFFFFFFFF  }
0xab: {  	s28 =	simm.s32 $_size_execute0_lowered;
	s7 =	sadd.s32 s7, s9;
	[dreg:$0x0] =	wrdreg $0x0  }
0xac: {  	s9 =	sshll.u32 s28, $0x1;
	[dreg:$0x2] =	wrdreg s7  }
0xad: {  	[dreg:$0x3] =	wrdreg s9  }
0xae: {  	[dreg:$0x4] =	wrdreg $0xC0  }
0xaf: {  	_ =	task [dreg:s11], $0x5FFFF  }
0xb0: {  	[dreg:$0x1] =	wrdreg $0xFFFFFFFF  }
0xb1: {  	[dreg:$0x0] =	wrdreg $0x60  }
0xb2: {  	[dreg:$0x2] =	wrdreg s2  }
0xb3: {  	[dreg:$0x3] =	wrdreg s18  }
0xb4: {  	[dreg:$0x4] =	wrdreg s4  }
0xb5: {  	[dreg:$0x5] =	wrdreg s5  }
0xb6: {  	[dreg:$0x6] =	wrdreg s24  }
0xb7: {  	[dreg:$0x7] =	wrdreg s6  }
0xb8: {  	[dreg:$0x8] =	wrdreg $0x9  }
0xb9: {  	_ =	task.clear_ibuf [dreg:s11], $0x9FFFF;
	_ =	strace $0x90000046  }
0xba: {  	s29 =	simm.s32 $0x9;
	_ =	strace $0x80000048  }
0xbb: {  	_ =	swait.ge [sflag:s29], $0x1  }
0xbc: {  	[sflag:s29] =	ssyncadd.s32 $0xFFFFFFFF  }
0xbd: {  	_ =	strace $0x90000048  }
0xbe: {  	_ =	sfence  }
0xbf: {  	s30 =	sld [smem:$0x0];
	_ =	sdelay $0x2  }
0xc0: {  	s31 =	sshll.u32 s1, $0xD;
	s1 =	sshrl.u32 s1, $0x2  }
0xc1: {  	s3 =	sand.u32 $0x4000, s31;
	s1 =	sadd.s32 s1, s30  }
0xc2: {  	s0 =	sor.u32 s3, s0;
	s1 =	sshll.u32 s1, $0x11  }
0xc3: {  	s0 =	sor.u32 s1, s0  }
0xc4: {  	s0 =	sadd.s32 $0x8F2B, s0  }
0xc5: {  	[sflag:s0] =	ssyncadd.remote.s32 $0x1  }
0xc6: {  	_ =	sfence.sel $0xFFFF  }
0xc7: {  	[dreg:$0x0] =	wrdreg $0xFFFFFFFF;
	(pc) =	sbr.abs _section_cstart, $3  }
0xc8: {  	[dreg:$0x1] =	wrdreg $0xFFFFFFFF  }
0xc9: {  	_ =	task.clear_ibuf [dreg:s11], $0x2FFFF;
	_ =	strace $0x9FFFFFFF  }
0xca: {  	(tm) =	ssettm $0x7FFFFFFF  }
0xcb: {  	_ =	shalt  }
tec
execute0_lowered:
.L_overlay_start_1:
0x0: {  	(tag) =	ssettag $0x1  }
0x1: {  	s5 =	rddreg [dreg:$0x0]  }
0x2: {  	s7 =	rddreg [dreg:$0x1]  }
0x3: {  	s1 =	rddreg [dreg:$0x2]  }
0x4: {  	s2 =	rddreg [dreg:$0x3]  }
0x5: {  	s6 =	rddreg [dreg:$0x4]  }
0x6: {  	s8 =	rddreg [dreg:$0x5]  }
0x7: {  	s0 =	rddreg [dreg:$0x6]  }
0x8: {  	s9 =	srdreg.scid;
	s3 =	stileid.u32  }
0x9: {  	s4 =	simm.s32 $0x0;
	s14 =	simm.s32 $0x1;
	s15 =	simm.s32 $0x80  }
0xa: {  	s16 =	simm.s32 $0x10080;
	s17 =	simm.s32 $0xC3800;
	s18 =	simm.s32 $0x0  }
0xb: {  	s9 =	sand.u32 $0x1, s9;
	s10 =	sshll.u32 s3, $0x1;
	[smem:$0x7FF] =	sst s4  }
0xc: {  	s31 =	sshll.u32 s3, $0x4;
	s11 =	sor.u32 s9, s10;
	_ =	strace $0x80000047  }
0xd: {  	s12 =	ssub.s32 $0x2, s9;
	s9 =	sshll.u32 s9, $0x3;
	s10 =	sshll.u32 s11, $0x7  }
0xe: {  	s29 =	sshrl.u32 s12, $0x1;
	s13 =	sadd.s32 $0xFFFFFFE7, s11;
	s7 =	sadd.s32 s7, s11  }
.Ltmp0:
0xf: {  	v0 =	vlaneseq.u32;
	p0 =	sgt.u32 s11, $0x18;
	s11 =	simm.s32 $0x2;
	(pc) =	sbr.rel .LBB2_1-.Ltmp0, $4  }
0x10: {  	v0 =	vmul.u32 $0x80, v0;
	s10 =	sadd.s32 s10, s6;
	s12 =	ssub.s32 s12, s29;
	s30 =	sshll.u32 s13, $0x4  }
0x11: {  	s5 =	sadd.s32 s5, s13;
	s13 =	sor.u32 s9, s31;
	s6 =	sand.u32 $0x70, s30  }
0x12: {  	v1 =	vor.u32 $0x800, v0;
	s9 =	smax.u32 s12, $0x1;
	s12 =	simm.s32 $0x400;
	s6 =	sadd.s32 s8, s6  }
0x13: {  	v2 =	vor.u32 $0x1000, v0;
	v3 =	vor.u32 $0x1800, v0;
	s8 =	sadd.s32 $0x400, s10;
	s10 =	sadd.s32 $0xFFFFFF38, s13;
	s13 =	simm.s32 $0x7A1400  }
.LBB2_11:
0x14: {  	v4 =	vperm.xlane v4, v15;
	_ =	sdelay $0x1  }
0x15: {  	v4 =	vbroadcast v4, $0x0  }
0x16: {  	v18 =	vadd.s32 v3, v17  }
0x17: {  	v19 =	vadd.s32 v0, v17;
	v47 =	vshll.u32 v15, $0xD;
	v20 =	vand.u32 $0xFFFFFF80, v4  }
0x18: {  	v21 =	vadd.s32 v1, v17;
	v4 =	vand.u32 $0x7F, v4;
	v15 =	vadd.s32 v47, v20  }
0x19: {  	v11 =	vld.idx.msk [tilespmem:v11+s15+$0x0], $0xffff;
	v48 =	vadd.s32 v2, v17;
	v4 =	vor.u32 v4, v15  }
0x1a: {  	v10 =	vld.idx.msk [tilespmem:v10+s15+$0x0], $0xffff;
	v15 =	vadd.s32 v0, v4  }
0x1b: {  	v18 =	vld.idx.msk [tilespmem:v18+s15+$0x0], $0xffff;
	v49 =	vadd.s32 v1, v4  }
0x1c: {  	v19 =	vld.idx.msk [tilespmem:v19+s15+$0x0], $0xffff;
	v22 =	vadd.s32 v2, v4  }
0x1d: {  	s19 =	sadd.s32 s19, s10;
	v21 =	vld.idx.msk [tilespmem:v21+s15+$0x0], $0xffff;
	v4 =	vadd.s32 v3, v4  }
0x1e: {  	v6 =	vadd.f32 v16, v6;
	v14 =	vpsel !p1, $0x0, v14;
	p4 =	slt.u32 s19, $0x32;
	v50 =	vld.idx.msk [tilespmem:v48+s15+$0x0], $0xffff  }
0x1f: {  	v7 =	vpsel !p1, $0x0, v7;
	v13 =	vadd.f32 v14, v13;
	v9 =	vpsel !p4, $0x0, v9;
	v51 =	vld.idx.msk [tilespmem:v15+s15+$0x0], $0xffff  }
0x20: {  	s30 =	sadd.s32 s20, s10;
	v7 =	vadd.f32 v7, v12;
	v8 =	vpsel !p4, $0x0, v8;
	v6 =	vadd.f32 v9, v6;
	v52 =	vld.idx.msk [tilespmem:v49+s15+$0x0], $0xffff  }
0x21: {  	p5 =	slt.u32 s30, $0x32;
	v5 =	vadd.f32 v8, v5;
	v11 =	vpsel !p4, $0x0, v11;
	v53 =	vpsel !p4, $0x0, v10;
	v55 =	vld.idx.msk [tilespmem:v22+s15+$0x0], $0xffff  }
0x22: {  	s31 =	sadd.s32 s21, s10;
	v54 =	vadd.f32 v11, v13;
	v7 =	vadd.f32 v53, v7;
	v57 =	vpsel !p5, $0x0, v19;
	v4 =	vld.idx.msk [tilespmem:v4+s15+$0x0], $0xffff  }
0x23: {  	p6 =	slt.u32 s31, $0x32;
	v56 =	vpsel !p5, $0x0, v18;
	v58 =	vpsel !p5, $0x0, v21;
	v6 =	vadd.f32 v57, v6  }
0x24: {  	v59 =	vpsel !p5, $0x0, v50;
	v60 =	vadd.f32 v58, v54;
	v61 =	vpsel !p6, $0x0, v51  }
0x25: {  	v7 =	vadd.f32 v59, v7;
	v62 =	vpsel !p6, $0x0, v52;
	v6 =	vadd.f32 v61, v6  }
0x26: {  	v5 =	vadd.f32 v56, v5;
	v63 =	vpsel !p6, $0x0, v55;
	v8 =	vadd.f32 v62, v60  }
0x27: {  	v4 =	vpsel !p6, $0x0, v4;
	v7 =	vadd.f32 v63, v7;
	[tilespmem:$0x10080] =	vst v6  }
0x28: {  	v4 =	vadd.f32 v4, v5;
	[tilespmem:$0x10090] =	vst v8  }
0x29: {  	[tilespmem:$0x100A0] =	vst v7  }
0x2a: {  	[tilespmem:$0x100B0] =	vst v4  }
0x2b: {  	[hbm4b:s6+s4] =	stream.linear.scatter [tilespmem:s16], [sflag:$0x2], $0x80, $0x38;
	[tilespmem:$0x10480] =	vst v63  }
0x2c: {  	_ =	swait.ge [sflag:s11], $0x80  }
0x2d: {  	[sflag:s11] =	ssyncset.done $0x0  }
0x2e: {  	[sflag:s11] =	ssyncadd.s32 $0xFFFFFF80  }
.LBB2_12:
0x2f: {  	s18 =	sadd.s32 $0x1, s18  }
0x30: {  	p1 =	sne.s32 s18, s9  }
.Ltmp1:
0x31: {  	_ = 	snop;
	(pc) =	sbr.rel @!p1 .LBB2_13-.Ltmp1, $1  }
0x32: {  	_ =	sdelay $0x3  }
.LBB2_1:
.Ltmp2:
0x33: {  	(pc) =	sbr.rel @p0 .LBB2_7-.Ltmp2, $2  }
0x34: {  	_ =	sdelay $0x2  }
0x35: {  	s19 =	simm.s32 $0x0  }
0x36: {  	[tilespmem:s19], [sflag:$0x2] =	stream.linear.gather [hbm4b:s7+s19], $0x8, $0x38;
	[tilespmem:$0x10480] =	vst v63  }
0x37: {  	_ =	swait.ge [sflag:s11], $0x8  }
0x38: {  	[sflag:s11] =	ssyncset.done $0x0  }
0x39: {  	[sflag:s11] =	ssyncadd.s32 $0xFFFFFFF8  }
0x3a: {  	v4 =	vld [tilespmem:$0x0];
	_ =	sdelay $0x4  }
0x3b: {  	vm0 =	vgt.s32 v4, $0x0  }
0x3c: {  	v4 =	vnsel vm0, $0x0, v4  }
0x3d: {  	v5 =	vmov s19;
	v4 =	vmin.u32 v4, $0xF4240  }
0x3e: {  	v5 =	vperm.xlane v4, v5;
	_ =	sdelay $0x1  }
0x3f: {  	(v2sf) =	vpush v5, $0x0;
	_ =	sdelay $0x7  }
0x40: {  	s30 =	simm.s32 $0x1  }
0x41: {  	v5 =	vmov s30  }
0x42: {  	v5 =	vperm.xlane v4, v5  }
0x43: {  	s31 =	simm.s32 $0x2  }
0x44: {  	v6 =	vmov s31;
	(v2sf) =	vpush v5, $0x0  }
0x45: {  	v6 =	vperm.xlane v4, v6;
	_ =	sdelay $0x1  }
0x46: {  	s20 =	spop (v2sf);
	(v2sf) =	vpush v6, $0x0;
	_ =	sdelay $0x4  }
0x47: {  	s21 =	simm.s32 $0x3  }
0x48: {  	v7 =	vmov s21;
	s20 =	sand.u32 $0xFFFFF80, s20  }
0x49: {  	s19 =	simm.s32 $0x80;
	v5 =	vperm.xlane v4, v7;
	s20 =	sadd.s32 s2, s20  }
0x4a: {  	[tilespmem:s19], [sflag:$0x1] =	stream.strided.gather [hbm4b:s20+s12], $0x2000, s13, s12, $0x38;
	[tilespmem:$0x10480] =	vst v63  }
0x4b: {  	(v2sf) =	vpush v5, $0x0;
	s20 =	simm.s32 $0x4  }
.LBB2_3:
0x4c: {  	p1 =	sne.s32 s20, $0x7  }
.Ltmp3:
0x4d: {  	_ = 	snop;
	(pc) =	sbr.rel @p1 .LBB2_3-.Ltmp3, $4  }
0x4e: {  	v5 =	vmov s20;
	s21 =	spop (v2sf)  }
0x4f: {  	v5 =	vperm.xlane v4, v5;
	s21 =	sand.u32 $0xFFFFF80, s21  }
0x50: {  	s20 =	sadd.s32 $0x1, s20;
	s19 =	sadd.s32 $0x2000, s19;
	s21 =	sadd.s32 s2, s21  }
0x51: {  	(v2sf) =	vpush v5, $0x0;
	[tilespmem:s19], [sflag:$0x1] =	stream.strided.gather [hbm4b:s21+s12], $0x2000, s13, s12, $0x38;
	[tilespmem:$0x10480] =	vst v63  }
0x52: {  	_ =	sdelay $0x6  }
0x53: {  	s20 =	spop (v2sf)  }
0x54: {  	s20 =	sand.u32 $0xFFFFF80, s20  }
0x55: {  	s19 =	sadd.s32 $0x2000, s19;
	s28 =	spop (v2sf);
	s20 =	sadd.s32 s2, s20  }
0x56: {  	[tilespmem:s19], [sflag:$0x1] =	stream.strided.gather [hbm4b:s20+s12], $0x2000, s13, s12, $0x38;
	[tilespmem:$0x10480] =	vst v63  }
0x57: {  	s20 =	sand.u32 $0xFFFFF80, s28  }
0x58: {  	s19 =	sadd.s32 $0x2000, s19;
	s20 =	sadd.s32 s2, s20  }
0x59: {  	[tilespmem:s19], [sflag:$0x1] =	stream.strided.gather [hbm4b:s20+s12], $0x2000, s13, s12, $0x38;
	[tilespmem:$0x10480] =	vst v63  }
0x5a: {  	s29 =	spop (v2sf)  }
0x5b: {  	s20 =	sand.u32 $0xFFFFF80, s29  }
0x5c: {  	s19 =	sadd.s32 $0x2000, s19;
	s20 =	sadd.s32 s2, s20  }
0x5d: {  	[tilespmem:s19], [sflag:$0x1] =	stream.strided.gather [hbm4b:s20+s12], $0x2000, s13, s12, $0x38;
	[tilespmem:$0x10480] =	vst v63  }
0x5e: {  	_ =	swait.ge [sflag:s14], $0x2000  }
0x5f: {  	[sflag:s14] =	ssyncset.done $0x0  }
0x60: {  	[sflag:s14] =	ssyncadd.s32 $0xFFFFE000  }
0x61: {  	_ =	swait.ge [sflag:s14], $0x2000  }
0x62: {  	[sflag:s14] =	ssyncset.done $0x0  }
0x63: {  	[sflag:s14] =	ssyncadd.s32 $0xFFFFE000  }
0x64: {  	_ =	swait.ge [sflag:s14], $0x2000  }
0x65: {  	[sflag:s14] =	ssyncset.done $0x0  }
0x66: {  	[sflag:s14] =	ssyncadd.s32 $0xFFFFE000  }
0x67: {  	_ =	swait.ge [sflag:s14], $0x2000  }
0x68: {  	s30 =	simm.s32 $0x0;
	[sflag:s14] =	ssyncset.done $0x0  }
0x69: {  	v4 =	vand.u32 $0x7F, v4;
	v5 =	vmov s30;
	[sflag:s14] =	ssyncadd.s32 $0xFFFFE000  }
0x6a: {  	v6 =	vperm.xlane v4, v5;
	_ =	swait.ge [sflag:s14], $0x2000  }
0x6b: {  	[sflag:s14] =	ssyncset.done $0x0  }
0x6c: {  	v6 =	vbroadcast v6, $0x0;
	[sflag:s14] =	ssyncadd.s32 $0xFFFFE000  }
0x6d: {  	_ =	swait.ge [sflag:s14], $0x2000  }
0x6e: {  	v5 =	vshll.u32 v5, $0xD;
	v7 =	vand.u32 $0xFFFFFF80, v6;
	[sflag:s14] =	ssyncset.done $0x0  }
0x6f: {  	v6 =	vand.u32 $0x7F, v6;
	v5 =	vadd.s32 v5, v7;
	[sflag:s14] =	ssyncadd.s32 $0xFFFFE000  }
0x70: {  	v5 =	vor.u32 v6, v5;
	_ =	swait.ge [sflag:s14], $0x2000  }
0x71: {  	v6 =	vadd.s32 v0, v5;
	[sflag:s14] =	ssyncset.done $0x0  }
0x72: {  	[sflag:s14] =	ssyncadd.s32 $0xFFFFE000  }
0x73: {  	_ =	swait.ge [sflag:s14], $0x2000  }
0x74: {  	[sflag:s14] =	ssyncset.done $0x0  }
0x75: {  	[sflag:s14] =	ssyncadd.s32 $0xFFFFE000  }
0x76: {  	v6 =	vld.idx.msk [tilespmem:v6+s15+$0x0], $0xffff  }
0x77: {  	v7 =	vadd.s32 v1, v5;
	_ =	sdelay $0x2  }
0x78: {  	s19 =	simm.s32 $0x100A0  }
0x79: {  	[tilespmem:s19+$0xFFFFFFE0] =	vst v6  }
0x7a: {  	v6 =	vld.idx.msk [tilespmem:v7+s15+$0x0], $0xffff  }
0x7b: {  	v7 =	vadd.s32 v2, v5;
	_ =	sdelay $0x3  }
0x7c: {  	s31 =	simm.s32 $0x1;
	[tilespmem:s19+$0xFFFFFFF0] =	vst v6  }
0x7d: {  	s20 =	simm.s32 $0x2;
	v6 =	vld.idx.msk [tilespmem:v7+s15+$0x0], $0xffff;
	v7 =	vmov s31  }
.LBB2_5:
0x7e: {  	p1 =	sne.s32 s20, $0x7;
	v8 =	vperm.xlane v4, v7;
	v5 =	vadd.s32 v3, v5;
	_ =	sdelay $0x1  }
0x7f: {  	v8 =	vbroadcast v8, $0x0;
	_ =	sdelay $0x1  }
0x80: {  	v7 =	vshll.u32 v7, $0xD;
	v9 =	vand.u32 $0xFFFFFF80, v8;
	[tilespmem:s19+$0x0] =	vst v6  }
0x81: {  	v6 =	vand.u32 $0x7F, v8;
	v7 =	vadd.s32 v7, v9;
	v8 =	vld.idx.msk [tilespmem:v5+s15+$0x0], $0xffff  }
0x82: {  	v5 =	vor.u32 v6, v7  }
0x83: {  	v6 =	vadd.s32 v0, v5;
	_ =	sdelay $0x3  }
0x84: {  	[tilespmem:s19+$0x10] =	vst v8  }
0x85: {  	v6 =	vld.idx.msk [tilespmem:v6+s15+$0x0], $0xffff;
	_ =	sdelay $0x1  }
0x86: {  	v7 =	vadd.s32 v1, v5;
	_ =	sdelay $0x2  }
0x87: {  	s19 =	sadd.s32 $0x80, s19  }
0x88: {  	[tilespmem:s19+$0xFFFFFFE0] =	vst v6  }
0x89: {  	v6 =	vld.idx.msk [tilespmem:v7+s15+$0x0], $0xffff;
	_ =	sdelay $0x1  }
0x8a: {  	v7 =	vadd.s32 v2, v5;
	_ =	sdelay $0x1  }
.Ltmp4:
0x8b: {  	(pc) =	sbr.rel @p1 .LBB2_5-.Ltmp4, $4  }
0x8c: {  	_ = 	snop  }
0x8d: {  	[tilespmem:s19+$0xFFFFFFF0] =	vst v6  }
0x8e: {  	v6 =	vld.idx.msk [tilespmem:v7+s15+$0x0], $0xffff  }
0x8f: {  	v7 =	vmov s20;
	s20 =	sadd.s32 $0x1, s20  }
0x90: {  	v4 =	vperm.xlane v4, v7  }
0x91: {  	v5 =	vadd.s32 v3, v5  }
0x92: {  	v4 =	vbroadcast v4, $0x0;
	_ =	sdelay $0x1  }
0x93: {  	v60 =	vshll.u32 v7, $0xD;
	v8 =	vand.u32 $0xFFFFFF80, v4  }
0x94: {  	[tilespmem:s19+$0x0] =	vst v6;
	v4 =	vand.u32 $0x7F, v4;
	v61 =	vadd.s32 v60, v8  }
0x95: {  	v5 =	vld.idx.msk [tilespmem:v5+s15+$0x0], $0xffff;
	v4 =	vor.u32 v4, v61  }
0x96: {  	v6 =	vadd.s32 v0, v4;
	_ =	sdelay $0x3  }
0x97: {  	[tilespmem:s19+$0x10] =	vst v5  }
0x98: {  	v5 =	vld.idx.msk [tilespmem:v6+s15+$0x0], $0xffff  }
0x99: {  	v62 =	vadd.s32 v1, v4;
	_ =	sdelay $0x2  }
0x9a: {  	s31 =	sadd.s32 $0x80, s19  }
0x9b: {  	[tilespmem:s31+$0xFFFFFFE0] =	vst v5  }
0x9c: {  	v5 =	vld.idx.msk [tilespmem:v62+s15+$0x0], $0xffff  }
0x9d: {  	v63 =	vadd.s32 v2, v4;
	_ =	sdelay $0x3  }
0x9e: {  	[tilespmem:s31+$0xFFFFFFF0] =	vst v5  }
0x9f: {  	v5 =	vld.idx.msk [tilespmem:v63+s15+$0x0], $0xffff  }
0xa0: {  	v4 =	vadd.s32 v3, v4;
	_ =	sdelay $0x3  }
0xa1: {  	[tilespmem:s31+$0x0] =	vst v5  }
0xa2: {  	v4 =	vld.idx.msk [tilespmem:v4+s15+$0x0], $0xffff;
	_ =	sdelay $0x4  }
.Ltmp5:
0xa3: {  	[tilespmem:s31+$0x10] =	vst v4;
	(pc) =	sbr.rel .LBB2_12-.Ltmp5, $4  }
0xa4: {  	[hbm4b:s8+s4] =	stream.linear.scatter [tilespmem:s16], [sflag:$0x2], $0x400, $0x38;
	[tilespmem:$0x10480] =	vst v63  }
0xa5: {  	_ =	swait.ge [sflag:s11], $0x400  }
0xa6: {  	[sflag:s11] =	ssyncset.done $0x0  }
0xa7: {  	[sflag:s11] =	ssyncadd.s32 $0xFFFFFC00  }
.LBB2_7:
0xa8: {  	[tilespmem:s19], [sflag:$0x2] =	stream.linear.gather [hbm4b:s5+s19], $0x8, $0x38;
	[tilespmem:$0x10480] =	vst v63  }
0xa9: {  	_ =	swait.ge [sflag:s11], $0x8  }
0xaa: {  	[sflag:s11] =	ssyncset.done $0x0  }
0xab: {  	[sflag:s11] =	ssyncadd.s32 $0xFFFFFFF8  }
0xac: {  	v4 =	vld [tilespmem:$0x0];
	_ =	sdelay $0x4  }
0xad: {  	vm0 =	vgt.s32 v4, $0x0  }
0xae: {  	v4 =	vnsel vm0, $0x0, v4  }
0xaf: {  	v5 =	vmov s19;
	v4 =	vmin.u32 v4, $0x186A0  }
0xb0: {  	v5 =	vperm.xlane v4, v5;
	_ =	sdelay $0x1  }
0xb1: {  	(v2sf) =	vpush v5, $0x0;
	_ =	sdelay $0x7  }
0xb2: {  	s30 =	simm.s32 $0x1  }
0xb3: {  	v5 =	vmov s30  }
0xb4: {  	v5 =	vperm.xlane v4, v5  }
0xb5: {  	s31 =	simm.s32 $0x2  }
0xb6: {  	v6 =	vmov s31;
	(v2sf) =	vpush v5, $0x0  }
0xb7: {  	v6 =	vperm.xlane v4, v6;
	_ =	sdelay $0x1  }
0xb8: {  	s20 =	spop (v2sf);
	(v2sf) =	vpush v6, $0x0;
	_ =	sdelay $0x4  }
0xb9: {  	s21 =	simm.s32 $0x3  }
0xba: {  	v7 =	vmov s21;
	s20 =	sand.u32 $0xFFFFF80, s20  }
0xbb: {  	s19 =	simm.s32 $0x80;
	v5 =	vperm.xlane v4, v7;
	s20 =	sadd.s32 s1, s20  }
0xbc: {  	[tilespmem:s19], [sflag:$0x1] =	stream.strided.gather [hbm4b:s20+s12], $0x2000, s17, s12, $0x38;
	[tilespmem:$0x10480] =	vst v63  }
0xbd: {  	(v2sf) =	vpush v5, $0x0;
	s20 =	simm.s32 $0x4  }
.LBB2_8:
0xbe: {  	p1 =	sne.s32 s20, $0x7  }
.Ltmp6:
0xbf: {  	_ = 	snop;
	(pc) =	sbr.rel @p1 .LBB2_8-.Ltmp6, $4  }
0xc0: {  	v5 =	vmov s20;
	s21 =	spop (v2sf)  }
0xc1: {  	v5 =	vperm.xlane v4, v5;
	s21 =	sand.u32 $0xFFFFF80, s21  }
0xc2: {  	s20 =	sadd.s32 $0x1, s20;
	s19 =	sadd.s32 $0x2000, s19;
	s21 =	sadd.s32 s1, s21  }
0xc3: {  	(v2sf) =	vpush v5, $0x0;
	[tilespmem:s19], [sflag:$0x1] =	stream.strided.gather [hbm4b:s21+s12], $0x2000, s17, s12, $0x38;
	[tilespmem:$0x10480] =	vst v63  }
0xc4: {  	_ =	sdelay $0x6  }
0xc5: {  	s20 =	spop (v2sf)  }
0xc6: {  	s20 =	sand.u32 $0xFFFFF80, s20  }
0xc7: {  	s19 =	sadd.s32 $0x2000, s19;
	s29 =	spop (v2sf);
	s20 =	sadd.s32 s1, s20  }
0xc8: {  	[tilespmem:s19], [sflag:$0x1] =	stream.strided.gather [hbm4b:s20+s12], $0x2000, s17, s12, $0x38;
	[tilespmem:$0x10480] =	vst v63  }
0xc9: {  	s20 =	sand.u32 $0xFFFFF80, s29  }
0xca: {  	s19 =	sadd.s32 $0x2000, s19;
	s20 =	sadd.s32 s1, s20  }
0xcb: {  	[tilespmem:s19], [sflag:$0x1] =	stream.strided.gather [hbm4b:s20+s12], $0x2000, s17, s12, $0x38;
	[tilespmem:$0x10480] =	vst v63  }
0xcc: {  	s30 =	spop (v2sf)  }
0xcd: {  	s20 =	sand.u32 $0xFFFFF80, s30  }
0xce: {  	s19 =	sadd.s32 $0x2000, s19;
	s20 =	sadd.s32 s1, s20  }
0xcf: {  	[tilespmem:s19], [sflag:$0x1] =	stream.strided.gather [hbm4b:s20+s12], $0x2000, s17, s12, $0x38;
	[tilespmem:$0x10480] =	vst v63  }
0xd0: {  	_ =	swait.ge [sflag:s14], $0x2000  }
0xd1: {  	[sflag:s14] =	ssyncset.done $0x0  }
0xd2: {  	[sflag:s14] =	ssyncadd.s32 $0xFFFFE000  }
0xd3: {  	_ =	swait.ge [sflag:s14], $0x2000  }
0xd4: {  	[sflag:s14] =	ssyncset.done $0x0  }
0xd5: {  	[sflag:s14] =	ssyncadd.s32 $0xFFFFE000  }
0xd6: {  	_ =	swait.ge [sflag:s14], $0x2000  }
0xd7: {  	[sflag:s14] =	ssyncset.done $0x0  }
0xd8: {  	[sflag:s14] =	ssyncadd.s32 $0xFFFFE000  }
0xd9: {  	s31 =	simm.s32 $0x0;
	_ =	swait.ge [sflag:s14], $0x2000  }
0xda: {  	v4 =	vand.u32 $0x7F, v4;
	v5 =	vmov s31;
	[sflag:s14] =	ssyncset.done $0x0  }
0xdb: {  	v6 =	vperm.xlane v4, v5;
	[sflag:s14] =	ssyncadd.s32 $0xFFFFE000  }
0xdc: {  	_ =	swait.ge [sflag:s14], $0x2000  }
0xdd: {  	v6 =	vbroadcast v6, $0x0;
	[sflag:s14] =	ssyncset.done $0x0  }
0xde: {  	[sflag:s14] =	ssyncadd.s32 $0xFFFFE000  }
0xdf: {  	v5 =	vshll.u32 v5, $0xD;
	v7 =	vand.u32 $0xFFFFFF80, v6;
	s19 =	simm.s32 $0x1;
	_ =	swait.ge [sflag:s14], $0x2000  }
0xe0: {  	v6 =	vand.u32 $0x7F, v6;
	v5 =	vadd.s32 v5, v7;
	v7 =	vmov s19;
	[sflag:s14] =	ssyncset.done $0x0  }
0xe1: {  	v5 =	vor.u32 v6, v5;
	v6 =	vperm.xlane v4, v7;
	[sflag:s14] =	ssyncadd.s32 $0xFFFFE000  }
0xe2: {  	_ =	swait.ge [sflag:s14], $0x2000  }
0xe3: {  	v8 =	vadd.s32 v3, v5;
	v6 =	vbroadcast v6, $0x0;
	[sflag:s14] =	ssyncset.done $0x0  }
0xe4: {  	v9 =	vadd.s32 v0, v5;
	v10 =	vadd.s32 v1, v5;
	[sflag:s14] =	ssyncadd.s32 $0xFFFFE000  }
0xe5: {  	v5 =	vadd.s32 v2, v5;
	s20 =	simm.s32 $0x2;
	v7 =	vshll.u32 v7, $0xD;
	v11 =	vand.u32 $0xFFFFFF80, v6;
	_ =	swait.ge [sflag:s14], $0x2000  }
0xe6: {  	v12 =	vmov s20;
	v6 =	vand.u32 $0x7F, v6;
	v7 =	vadd.s32 v7, v11;
	[sflag:s14] =	ssyncset.done $0x0  }
0xe7: {  	v7 =	vor.u32 v6, v7;
	v6 =	vperm.xlane v4, v12;
	[sflag:s14] =	ssyncadd.s32 $0xFFFFE000  }
0xe8: {  	v13 =	vadd.s32 v3, v7;
	v8 =	vld.idx.msk [tilespmem:v8+s15+$0x0], $0xffff  }
0xe9: {  	v15 =	vbroadcast v6, $0x0;
	v16 =	vld.idx.msk [tilespmem:v9+s15+$0x0], $0xffff;
	v9 =	vadd.s32 v0, v7  }
0xea: {  	s21 =	sadd.s32 $0x0, s10;
	v12 =	vshll.u32 v12, $0xD;
	v11 =	vadd.s32 v1, v7;
	v14 =	vld.idx.msk [tilespmem:v10+s15+$0x0], $0xffff  }
0xeb: {  	p1 =	slt.u32 s21, $0x32;
	s21 =	simm.s32 $0x3;
	v6 =	vimm.f32 $0.0e+00;
	v17 =	vand.u32 $0xFFFFFF80, v15;
	v10 =	vadd.s32 v2, v7;
	v7 =	vld.idx.msk [tilespmem:v5+s15+$0x0], $0xffff  }
0xec: {  	v18 =	vand.u32 $0x7F, v15;
	v15 =	vmov s21;
	v12 =	vadd.s32 v12, v17  }
0xed: {  	v17 =	vor.u32 v18, v12;
	v12 =	vimm.f32 $0.0e+00;
	v5 =	vpsel !p1, $0x0, v8;
	v8 =	vld.idx.msk [tilespmem:v13+s15+$0x0], $0xffff  }
0xee: {  	s22 =	simm.s32 $0x4;
	v9 =	vld.idx.msk [tilespmem:v9+s15+$0x0], $0xffff;
	v16 =	vpsel !p1, $0x0, v16;
	v13 =	vimm.f32 $0.0e+00;
	v5 =	vadd.f32 v5, v6  }
.LBB2_10:
0xef: {  	p2 =	sne.s32 s22, $0x7;
	v18 =	vperm.xlane v4, v15;
	v19 =	vadd.s32 v0, v17;
	v20 =	vadd.s32 v3, v17;
	v21 =	vld.idx.msk [tilespmem:v11+s15+$0x0], $0xffff  }
0xf0: {  	v11 =	vadd.s32 v1, v17;
	v14 =	vpsel !p1, $0x0, v14;
	v22 =	vmovc v7;
	v7 =	vld.idx.msk [tilespmem:v10+s15+$0x0], $0xffff;
	v10 =	vadd.s32 v2, v17  }
.Ltmp7:
0xf1: {  	s23 =	sadd.s32 s19, s10;
	v6 =	vadd.f32 v16, v6;
	s19 =	smov.u32 s20;
	v16 =	vpsel !p1, $0x0, v22;
	v17 =	vbroadcast v18, $0x0;
	(pc) =	sbr.rel @p2 .LBB2_10-.Ltmp7, $4  }
0xf2: {  	s20 =	smov.u32 s21;
	s21 =	smov.u32 s22;
	p1 =	slt.u32 s23, $0x32;
	v13 =	vadd.f32 v14, v13;
	v12 =	vadd.f32 v16, v12  }
0xf3: {  	v15 =	vshll.u32 v15, $0xD;
	v16 =	vpsel !p1, $0x0, v8;
	v22 =	vand.u32 $0xFFFFFF80, v17  }
0xf4: {  	v5 =	vadd.f32 v16, v5;
	v17 =	vand.u32 $0x7F, v17;
	v18 =	vadd.s32 v15, v22;
	v8 =	vld.idx.msk [tilespmem:v20+s15+$0x0], $0xffff  }
0xf5: {  	s22 =	sadd.s32 $0x1, s22;
	v16 =	vpsel !p1, $0x0, v9;
	v15 =	vmov s21;
	v14 =	vmovc v21;
	v17 =	vor.u32 v17, v18;
	v9 =	vld.idx.msk [tilespmem:v19+s15+$0x0], $0xffff  }
.Ltmp8:
0xf6: {  	_ = 	snop;
	(pc) =	sbr.rel .LBB2_11-.Ltmp8, $1  }
0xf7: {  	_ =	sdelay $0x3  }
.LBB2_13:
0xf8: {  	_ =	sfence.sel $0x180000  }
0xf9: {  	[bflag:$0x0] =	sbarrier.arrive $0xFFFF  }
0xfa: {  	p0 =	sne.s32 s3, $0x0;
	_ =	strace $0x90000047  }
0xfb: {  	s0 =	sadd.s32 @!p0 $0x100000, s0;
	[bflag:$0x2] =	sbarrier.arrive $0xFFFF  }
0xfc: {  	[sflag:s0] =	ssyncadd.tile.s32 @!p0 $0x1;
	_ =	shalt  }
.Lfunc_end2:
_tile_overlayer_lowered:
.L_overlay_start_2:
0xfd: {  	(tag) =	ssettag $0x2  }
0xfe: {  	s0 =	rddreg [dreg:$0x0];
	s2 =	stileid.u32  }
0xff: {  	s1 =	rddreg [dreg:$0x1];
	p0 =	sne.s32 s2, $0x0  }
0x100: {  	s3 =	rddreg [dreg:$0x2];
	[bflag:$0x3] =	sbarrier.arrive $0xFFFF;
	s2 =	simm.s32 @!p0 $0x1C02  }
0x101: {  	[timem:s3], [sflag:s2] =	dma.local @!p0 [hbm:s0], s1  }
0x102: {  	s0 =	simm.s32 @!p0 $0x2  }
0x103: {  	_ =	swait.ge @!p0 [sflag:s0], s1  }
0x104: {  	s1 =	ssub.s32 @!p0 $0x0, s1;
	[sflag:s0] =	ssyncset.done @!p0 $0x0  }
0x105: {  	[sflag:s0] =	ssyncadd.s32 @!p0 s1  }
0x106: {  	[bflag:$0x3] =	sbarrier.arrive $0xFFFF  }
0x107: {  	_ =	shalt  }

</sc_bundles>
